<compile_context>
chip_gen: v7x
topology: tpu7x:2x2x1
jax: 0.10.2.dev20260603
libtpu: 0.0.44.dev20260713+nightly
codegen_flags: <defaults>
</compile_context>

<pallas_src>
import functools

import jax
import jax.numpy as jnp
from jax import lax
from jax.experimental import pallas as pl
from jax.experimental.pallas import tpu as pltpu
from jax.experimental.pallas import tpu_sc as plsc

_HID = 64
_LQ = 2048
_LK = 2048
_BIG = 4096
_NW = 32
_RPW = _LQ // _NW


def _build_body(off_ref, w_ref, big_ref):
    off = off_ref[0]
    big_ref[:, :] = jnp.broadcast_to(w_ref[0:1, :], (_BIG, _HID))
    big_ref[pl.ds(1536 - off, 1023), :] = w_ref[pl.ds(0, 1023), :]
    big_ref[pl.ds(2559 - off, 1537), :] = jnp.broadcast_to(
        w_ref[1022:1023, :], (1537, _HID)
    )


_mesh = plsc.VectorSubcoreMesh(core_axis_name="c", subcore_axis_name="s")


_RING = 4


@functools.partial(
    pl.kernel,
    out_type=jax.ShapeDtypeStruct((_LQ, _LK, _HID), jnp.float32),
    mesh=_mesh,
    scratch_types=[
        pltpu.MemorySpace.VMEM_SHARED((_BIG, _HID), jnp.float32),
        [pltpu.SemaphoreType.DMA] * _RING,
    ],
)
def _sc_copy(big_hbm, out_hbm, big_sh, sems):
    c = lax.axis_index("c")
    s = lax.axis_index("s")

    @pl.when(s == 0)
    def _stage():
        pltpu.sync_copy(big_hbm, big_sh)

    plsc.subcore_barrier()

    wid = s * 2 + c
    base = wid * _RPW

    def issue(n, slot):
        start = _LK - 1 - (base + n)
        pltpu.make_async_copy(
            big_sh.at[pl.ds(start, _LK), :], out_hbm.at[base + n], sems[slot]
        ).start()

    def drain(n, slot):
        pltpu.make_async_copy(
            big_sh.at[pl.ds(0, _LK), :], out_hbm.at[base + n], sems[slot]
        ).wait()

    for k in range(_RING):
        issue(k, k)

    def chunk(cc, carry):
        b = cc * _RING
        for k in range(_RING):
            drain(b + k - _RING, k)
            issue(b + k, k)
        return carry

    lax.fori_loop(1, _RPW // _RING, chunk, 0)

    for k in range(_RING):
        drain(_RPW - _RING + k, k)


def kernel(weight, length_q, length_k):
    off = jnp.asarray(
        (length_q - _LQ) + (length_k - _LK), dtype=jnp.int32
    ).reshape((1,))
    big = pl.pallas_call(
        _build_body,
        in_specs=[
            pl.BlockSpec(memory_space=pltpu.MemorySpace.SMEM),
            pl.BlockSpec(memory_space=pltpu.MemorySpace.VMEM),
        ],
        out_specs=pl.BlockSpec(memory_space=pltpu.MemorySpace.VMEM),
        out_shape=jax.ShapeDtypeStruct((_BIG, _HID), jnp.float32),
    )(off, weight)
    return _sc_copy(big)

# --- scband reference (transcript-rebuilt; emitter-appended) ---
"""Pipeline reference for scband-relative-positional-embedding-67757404062413 (READ-ONLY COPY).

The authoritative reference and input builder live on the scoring server;
editing this copy changes nothing except your own understanding.
"""

import jax, jax.numpy as jnp
import numpy as np

HIDDEN_CHANNELS = 64
MAX_REL_POS_INIT = 512  # constructor arg
MAX_REL = MAX_REL_POS_INIT - 1  # internal clamp value = 511
TABLE_ROWS = MAX_REL_POS_INIT * 2 + 1  # 1025
LENGTH_Q = 2048
LENGTH_K = 2048


def setup_inputs(seed: int = 0) -> dict:
    key = jax.random.key(seed)
    rel_stddev = HIDDEN_CHANNELS ** (-0.5)
    weight = rel_stddev * jax.random.normal(key, (TABLE_ROWS, HIDDEN_CHANNELS), dtype=jnp.float32)
    return {"weight": weight, "length_q": 2048, "length_k": 2048}


def reference(weight, length_q, length_k):
    range_vec_q = jnp.arange(LENGTH_Q)
    range_vec_k = jnp.arange(LENGTH_K)
    distance_mat = range_vec_k[None, :] - range_vec_q[:, None]
    distance_mat = distance_mat + (length_q - LENGTH_Q) + (length_k - LENGTH_K)
    distance_mat_clipped = jnp.clip(distance_mat, -MAX_REL, MAX_REL)
    final_mat = distance_mat_clipped + MAX_REL
    embeddings = jnp.take(weight, final_mat, axis=0)
    return embeddings

if __name__ == "__main__":
    import jax
    _d = setup_inputs()
    print(jax.jit(kernel)(*tuple(_d.values())))

</pallas_src>

<mosaic_0001>
#map = affine_map<(d0, d1) -> (0, 0)>
#map1 = affine_map<(d0, d1) -> (0, 0, 0)>
module attributes {stable_mosaic.version = 14 : i64} {
  func.func @_sc_copy(%arg0: i32, %arg1: i32, %arg2: memref<4096x64xf32, #tpu.memory_space<hbm>>, %arg3: memref<2048x2048x64xf32, #tpu.memory_space<hbm>>, %arg4: memref<4096x64xf32, #tpu.memory_space<vmem_shared>>, %arg5: memref<!tpu.dma_semaphore, #tpu.memory_space<semaphore_mem>>, %arg6: memref<!tpu.dma_semaphore, #tpu.memory_space<semaphore_mem>>, %arg7: memref<!tpu.dma_semaphore, #tpu.memory_space<semaphore_mem>>, %arg8: memref<!tpu.dma_semaphore, #tpu.memory_space<semaphore_mem>>) attributes {dimension_semantics = [#tpu.dimension_semantics<core_parallel>, #tpu.dimension_semantics<subcore_parallel>], iteration_bounds = array<i64: 2, 16>, scalar_prefetch = 0 : i64, scratch_operands = 5 : i64, tpu.core_type = #tpu.core_type<sc_vector_subcore>, window_params = [{transform_indices = #map}, {transform_indices = #map1}]} {
    %eq3A = arith.constant 0 : i32
    %eq3A_0 = arith.cmpi eq, %arg1, %eq3A : i32
    %convert_element_type3A = arith.extui %eq3A_0 : i1 to i32
    %cond3A = arith.constant 0 : i32
    %cond3A_1 = arith.cmpi ne, %convert_element_type3A, %cond3A : i32
    scf.if %cond3A_1 {
      "tpu.region"() ({
        %run_scoped3A = tpu.sem_alloc : memref<!tpu.dma_semaphore, #tpu.memory_space<semaphore_mem>>
        tpu.enqueue_dma source(%arg2 : memref<4096x64xf32, #tpu.memory_space<hbm>>) target(%arg4 : memref<4096x64xf32, #tpu.memory_space<vmem_shared>>) target_semaphore(%run_scoped3A : memref<!tpu.dma_semaphore, #tpu.memory_space<semaphore_mem>>)
        tpu.wait_dma2 semaphore(%run_scoped3A : memref<!tpu.dma_semaphore, #tpu.memory_space<semaphore_mem>>) src(%arg2 : memref<4096x64xf32, #tpu.memory_space<hbm>>) dst(%arg4 : memref<4096x64xf32, #tpu.memory_space<vmem_shared>>)
        tpu.yield
      }) : () -> ()
    } else {
    }
    %barrier3A = arith.constant 0 : index
    tpu.barrier barrier_id(%barrier3A)
    %mul3A = arith.constant 2 : i32
    %mul3A_2 = arith.muli %arg1, %mul3A : i32
    %add3A = arith.addi %mul3A_2, %arg0 : i32
    %mul3A_3 = arith.constant 64 : i32
    %mul3A_4 = arith.muli %add3A, %mul3A_3 : i32
    %add3A_5 = arith.constant 0 : i32
    %add3A_6 = arith.addi %mul3A_4, %add3A_5 : i32
    %sub3A = arith.constant 2047 : i32
    %sub3A_7 = arith.subi %sub3A, %add3A_6 : i32
    %add3A_8 = arith.constant 0 : i32
    %add3A_9 = arith.addi %mul3A_4, %add3A_8 : i32
    %dma_start3A = arith.constant 0 : i32
    %dma_start3A_10 = arith.constant 0 : i32
    %dma_start3A_11 = tpu.memref_slice %arg3[%add3A_9, %dma_start3A, %dma_start3A_10] : memref<2048x2048x64xf32, #tpu.memory_space<hbm>> -> memref<1x2048x64xf32, #tpu.memory_space<hbm>>
    %dma_start3A_12 = tpu.memref_squeeze %dma_start3A_11 : memref<1x2048x64xf32, #tpu.memory_space<hbm>> -> memref<2048x64xf32, #tpu.memory_space<hbm>>
    %dma_start3A_13 = arith.constant 0 : i32
    %dma_start3A_14 = tpu.memref_slice %arg4[%sub3A_7, %dma_start3A_13] : memref<4096x64xf32, #tpu.memory_space<vmem_shared>> -> memref<2048x64xf32, #tpu.memory_space<vmem_shared>>
    tpu.enqueue_dma source(%dma_start3A_14 : memref<2048x64xf32, #tpu.memory_space<vmem_shared>>) target(%dma_start3A_12 : memref<2048x64xf32, #tpu.memory_space<hbm>>) target_semaphore(%arg5 : memref<!tpu.dma_semaphore, #tpu.memory_space<semaphore_mem>>)
    %add3A_15 = arith.constant 1 : i32
    %add3A_16 = arith.addi %mul3A_4, %add3A_15 : i32
    %sub3A_17 = arith.constant 2047 : i32
    %sub3A_18 = arith.subi %sub3A_17, %add3A_16 : i32
    %add3A_19 = arith.constant 1 : i32
    %add3A_20 = arith.addi %mul3A_4, %add3A_19 : i32
    %dma_start3A_21 = arith.constant 0 : i32
    %dma_start3A_22 = arith.constant 0 : i32
    %dma_start3A_23 = tpu.memref_slice %arg3[%add3A_20, %dma_start3A_21, %dma_start3A_22] : memref<2048x2048x64xf32, #tpu.memory_space<hbm>> -> memref<1x2048x64xf32, #tpu.memory_space<hbm>>
    %dma_start3A_24 = tpu.memref_squeeze %dma_start3A_23 : memref<1x2048x64xf32, #tpu.memory_space<hbm>> -> memref<2048x64xf32, #tpu.memory_space<hbm>>
    %dma_start3A_25 = arith.constant 0 : i32
    %dma_start3A_26 = tpu.memref_slice %arg4[%sub3A_18, %dma_start3A_25] : memref<4096x64xf32, #tpu.memory_space<vmem_shared>> -> memref<2048x64xf32, #tpu.memory_space<vmem_shared>>
    tpu.enqueue_dma source(%dma_start3A_26 : memref<2048x64xf32, #tpu.memory_space<vmem_shared>>) target(%dma_start3A_24 : memref<2048x64xf32, #tpu.memory_space<hbm>>) target_semaphore(%arg6 : memref<!tpu.dma_semaphore, #tpu.memory_space<semaphore_mem>>)
    %add3A_27 = arith.constant 2 : i32
    %add3A_28 = arith.addi %mul3A_4, %add3A_27 : i32
    %sub3A_29 = arith.constant 2047 : i32
    %sub3A_30 = arith.subi %sub3A_29, %add3A_28 : i32
    %add3A_31 = arith.constant 2 : i32
    %add3A_32 = arith.addi %mul3A_4, %add3A_31 : i32
    %dma_start3A_33 = arith.constant 0 : i32
    %dma_start3A_34 = arith.constant 0 : i32
    %dma_start3A_35 = tpu.memref_slice %arg3[%add3A_32, %dma_start3A_33, %dma_start3A_34] : memref<2048x2048x64xf32, #tpu.memory_space<hbm>> -> memref<1x2048x64xf32, #tpu.memory_space<hbm>>
    %dma_start3A_36 = tpu.memref_squeeze %dma_start3A_35 : memref<1x2048x64xf32, #tpu.memory_space<hbm>> -> memref<2048x64xf32, #tpu.memory_space<hbm>>
    %dma_start3A_37 = arith.constant 0 : i32
    %dma_start3A_38 = tpu.memref_slice %arg4[%sub3A_30, %dma_start3A_37] : memref<4096x64xf32, #tpu.memory_space<vmem_shared>> -> memref<2048x64xf32, #tpu.memory_space<vmem_shared>>
    tpu.enqueue_dma source(%dma_start3A_38 : memref<2048x64xf32, #tpu.memory_space<vmem_shared>>) target(%dma_start3A_36 : memref<2048x64xf32, #tpu.memory_space<hbm>>) target_semaphore(%arg7 : memref<!tpu.dma_semaphore, #tpu.memory_space<semaphore_mem>>)
    %add3A_39 = arith.constant 3 : i32
    %add3A_40 = arith.addi %mul3A_4, %add3A_39 : i32
    %sub3A_41 = arith.constant 2047 : i32
    %sub3A_42 = arith.subi %sub3A_41, %add3A_40 : i32
    %add3A_43 = arith.constant 3 : i32
    %add3A_44 = arith.addi %mul3A_4, %add3A_43 : i32
    %dma_start3A_45 = arith.constant 0 : i32
    %dma_start3A_46 = arith.constant 0 : i32
    %dma_start3A_47 = tpu.memref_slice %arg3[%add3A_44, %dma_start3A_45, %dma_start3A_46] : memref<2048x2048x64xf32, #tpu.memory_space<hbm>> -> memref<1x2048x64xf32, #tpu.memory_space<hbm>>
    %dma_start3A_48 = tpu.memref_squeeze %dma_start3A_47 : memref<1x2048x64xf32, #tpu.memory_space<hbm>> -> memref<2048x64xf32, #tpu.memory_space<hbm>>
    %dma_start3A_49 = arith.constant 0 : i32
    %dma_start3A_50 = tpu.memref_slice %arg4[%sub3A_42, %dma_start3A_49] : memref<4096x64xf32, #tpu.memory_space<vmem_shared>> -> memref<2048x64xf32, #tpu.memory_space<vmem_shared>>
    tpu.enqueue_dma source(%dma_start3A_50 : memref<2048x64xf32, #tpu.memory_space<vmem_shared>>) target(%dma_start3A_48 : memref<2048x64xf32, #tpu.memory_space<hbm>>) target_semaphore(%arg8 : memref<!tpu.dma_semaphore, #tpu.memory_space<semaphore_mem>>)
    %scan3A = arith.constant 0 : i32
    %scan3A_51 = arith.constant 1 : i32
    %scan3A_52 = arith.constant 15 : i32
    %scan3A_53 = arith.addi %scan3A_51, %scan3A_52 : i32
    %scan3A_54 = arith.constant 1 : i32
    scf.for %scan3A_91 = %scan3A_51 to %scan3A_53 step %scan3A_54  : i32 {
      %mul3A_92 = arith.constant 4 : i32
      %mul3A_93 = arith.muli %scan3A_91, %mul3A_92 : i32
      %add3A_94 = arith.constant 0 : i32
      %add3A_95 = arith.addi %mul3A_93, %add3A_94 : i32
      %sub3A_96 = arith.constant 4 : i32
      %sub3A_97 = arith.subi %add3A_95, %sub3A_96 : i32
      %add3A_98 = arith.addi %mul3A_4, %sub3A_97 : i32
      %dma_wait3A_99 = arith.constant 0 : i32
      %dma_wait3A_100 = arith.constant 0 : i32
      %dma_wait3A_101 = tpu.memref_slice %arg3[%add3A_98, %dma_wait3A_99, %dma_wait3A_100] : memref<2048x2048x64xf32, #tpu.memory_space<hbm>> -> memref<1x2048x64xf32, #tpu.memory_space<hbm>>
      %dma_wait3A_102 = tpu.memref_squeeze %dma_wait3A_101 : memref<1x2048x64xf32, #tpu.memory_space<hbm>> -> memref<2048x64xf32, #tpu.memory_space<hbm>>
      %dma_wait3A_103 = arith.constant 0 : i32
      %dma_wait3A_104 = arith.constant 0 : i32
      %dma_wait3A_105 = tpu.memref_slice %arg4[%dma_wait3A_103, %dma_wait3A_104] : memref<4096x64xf32, #tpu.memory_space<vmem_shared>> -> memref<2048x64xf32, #tpu.memory_space<vmem_shared>>
      tpu.wait_dma2 semaphore(%arg5 : memref<!tpu.dma_semaphore, #tpu.memory_space<semaphore_mem>>) src(%dma_wait3A_105 : memref<2048x64xf32, #tpu.memory_space<vmem_shared>>) dst(%dma_wait3A_102 : memref<2048x64xf32, #tpu.memory_space<hbm>>)
      %add3A_106 = arith.constant 0 : i32
      %add3A_107 = arith.addi %mul3A_93, %add3A_106 : i32
      %add3A_108 = arith.addi %mul3A_4, %add3A_107 : i32
      %sub3A_109 = arith.constant 2047 : i32
      %sub3A_110 = arith.subi %sub3A_109, %add3A_108 : i32
      %add3A_111 = arith.addi %mul3A_4, %add3A_107 : i32
      %dma_start3A_112 = arith.constant 0 : i32
      %dma_start3A_113 = arith.constant 0 : i32
      %dma_start3A_114 = tpu.memref_slice %arg3[%add3A_111, %dma_start3A_112, %dma_start3A_113] : memref<2048x2048x64xf32, #tpu.memory_space<hbm>> -> memref<1x2048x64xf32, #tpu.memory_space<hbm>>
      %dma_start3A_115 = tpu.memref_squeeze %dma_start3A_114 : memref<1x2048x64xf32, #tpu.memory_space<hbm>> -> memref<2048x64xf32, #tpu.memory_space<hbm>>
      %dma_start3A_116 = arith.constant 0 : i32
      %dma_start3A_117 = tpu.memref_slice %arg4[%sub3A_110, %dma_start3A_116] : memref<4096x64xf32, #tpu.memory_space<vmem_shared>> -> memref<2048x64xf32, #tpu.memory_space<vmem_shared>>
      tpu.enqueue_dma source(%dma_start3A_117 : memref<2048x64xf32, #tpu.memory_space<vmem_shared>>) target(%dma_start3A_115 : memref<2048x64xf32, #tpu.memory_space<hbm>>) target_semaphore(%arg5 : memref<!tpu.dma_semaphore, #tpu.memory_space<semaphore_mem>>)
      %add3A_118 = arith.constant 1 : i32
      %add3A_119 = arith.addi %mul3A_93, %add3A_118 : i32
      %sub3A_120 = arith.constant 4 : i32
      %sub3A_121 = arith.subi %add3A_119, %sub3A_120 : i32
      %add3A_122 = arith.addi %mul3A_4, %sub3A_121 : i32
      %dma_wait3A_123 = arith.constant 0 : i32
      %dma_wait3A_124 = arith.constant 0 : i32
      %dma_wait3A_125 = tpu.memref_slice %arg3[%add3A_122, %dma_wait3A_123, %dma_wait3A_124] : memref<2048x2048x64xf32, #tpu.memory_space<hbm>> -> memref<1x2048x64xf32, #tpu.memory_space<hbm>>
      %dma_wait3A_126 = tpu.memref_squeeze %dma_wait3A_125 : memref<1x2048x64xf32, #tpu.memory_space<hbm>> -> memref<2048x64xf32, #tpu.memory_space<hbm>>
      %dma_wait3A_127 = arith.constant 0 : i32
      %dma_wait3A_128 = arith.constant 0 : i32
      %dma_wait3A_129 = tpu.memref_slice %arg4[%dma_wait3A_127, %dma_wait3A_128] : memref<4096x64xf32, #tpu.memory_space<vmem_shared>> -> memref<2048x64xf32, #tpu.memory_space<vmem_shared>>
      tpu.wait_dma2 semaphore(%arg6 : memref<!tpu.dma_semaphore, #tpu.memory_space<semaphore_mem>>) src(%dma_wait3A_129 : memref<2048x64xf32, #tpu.memory_space<vmem_shared>>) dst(%dma_wait3A_126 : memref<2048x64xf32, #tpu.memory_space<hbm>>)
      %add3A_130 = arith.constant 1 : i32
      %add3A_131 = arith.addi %mul3A_93, %add3A_130 : i32
      %add3A_132 = arith.addi %mul3A_4, %add3A_131 : i32
      %sub3A_133 = arith.constant 2047 : i32
      %sub3A_134 = arith.subi %sub3A_133, %add3A_132 : i32
      %add3A_135 = arith.addi %mul3A_4, %add3A_131 : i32
      %dma_start3A_136 = arith.constant 0 : i32
      %dma_start3A_137 = arith.constant 0 : i32
      %dma_start3A_138 = tpu.memref_slice %arg3[%add3A_135, %dma_start3A_136, %dma_start3A_137] : memref<2048x2048x64xf32, #tpu.memory_space<hbm>> -> memref<1x2048x64xf32, #tpu.memory_space<hbm>>
      %dma_start3A_139 = tpu.memref_squeeze %dma_start3A_138 : memref<1x2048x64xf32, #tpu.memory_space<hbm>> -> memref<2048x64xf32, #tpu.memory_space<hbm>>
      %dma_start3A_140 = arith.constant 0 : i32
      %dma_start3A_141 = tpu.memref_slice %arg4[%sub3A_134, %dma_start3A_140] : memref<4096x64xf32, #tpu.memory_space<vmem_shared>> -> memref<2048x64xf32, #tpu.memory_space<vmem_shared>>
      tpu.enqueue_dma source(%dma_start3A_141 : memref<2048x64xf32, #tpu.memory_space<vmem_shared>>) target(%dma_start3A_139 : memref<2048x64xf32, #tpu.memory_space<hbm>>) target_semaphore(%arg6 : memref<!tpu.dma_semaphore, #tpu.memory_space<semaphore_mem>>)
      %add3A_142 = arith.constant 2 : i32
      %add3A_143 = arith.addi %mul3A_93, %add3A_142 : i32
      %sub3A_144 = arith.constant 4 : i32
      %sub3A_145 = arith.subi %add3A_143, %sub3A_144 : i32
      %add3A_146 = arith.addi %mul3A_4, %sub3A_145 : i32
      %dma_wait3A_147 = arith.constant 0 : i32
      %dma_wait3A_148 = arith.constant 0 : i32
      %dma_wait3A_149 = tpu.memref_slice %arg3[%add3A_146, %dma_wait3A_147, %dma_wait3A_148] : memref<2048x2048x64xf32, #tpu.memory_space<hbm>> -> memref<1x2048x64xf32, #tpu.memory_space<hbm>>
      %dma_wait3A_150 = tpu.memref_squeeze %dma_wait3A_149 : memref<1x2048x64xf32, #tpu.memory_space<hbm>> -> memref<2048x64xf32, #tpu.memory_space<hbm>>
      %dma_wait3A_151 = arith.constant 0 : i32
      %dma_wait3A_152 = arith.constant 0 : i32
      %dma_wait3A_153 = tpu.memref_slice %arg4[%dma_wait3A_151, %dma_wait3A_152] : memref<4096x64xf32, #tpu.memory_space<vmem_shared>> -> memref<2048x64xf32, #tpu.memory_space<vmem_shared>>
      tpu.wait_dma2 semaphore(%arg7 : memref<!tpu.dma_semaphore, #tpu.memory_space<semaphore_mem>>) src(%dma_wait3A_153 : memref<2048x64xf32, #tpu.memory_space<vmem_shared>>) dst(%dma_wait3A_150 : memref<2048x64xf32, #tpu.memory_space<hbm>>)
      %add3A_154 = arith.constant 2 : i32
      %add3A_155 = arith.addi %mul3A_93, %add3A_154 : i32
      %add3A_156 = arith.addi %mul3A_4, %add3A_155 : i32
      %sub3A_157 = arith.constant 2047 : i32
      %sub3A_158 = arith.subi %sub3A_157, %add3A_156 : i32
      %add3A_159 = arith.addi %mul3A_4, %add3A_155 : i32
      %dma_start3A_160 = arith.constant 0 : i32
      %dma_start3A_161 = arith.constant 0 : i32
      %dma_start3A_162 = tpu.memref_slice %arg3[%add3A_159, %dma_start3A_160, %dma_start3A_161] : memref<2048x2048x64xf32, #tpu.memory_space<hbm>> -> memref<1x2048x64xf32, #tpu.memory_space<hbm>>
      %dma_start3A_163 = tpu.memref_squeeze %dma_start3A_162 : memref<1x2048x64xf32, #tpu.memory_space<hbm>> -> memref<2048x64xf32, #tpu.memory_space<hbm>>
      %dma_start3A_164 = arith.constant 0 : i32
      %dma_start3A_165 = tpu.memref_slice %arg4[%sub3A_158, %dma_start3A_164] : memref<4096x64xf32, #tpu.memory_space<vmem_shared>> -> memref<2048x64xf32, #tpu.memory_space<vmem_shared>>
      tpu.enqueue_dma source(%dma_start3A_165 : memref<2048x64xf32, #tpu.memory_space<vmem_shared>>) target(%dma_start3A_163 : memref<2048x64xf32, #tpu.memory_space<hbm>>) target_semaphore(%arg7 : memref<!tpu.dma_semaphore, #tpu.memory_space<semaphore_mem>>)
      %add3A_166 = arith.constant 3 : i32
      %add3A_167 = arith.addi %mul3A_93, %add3A_166 : i32
      %sub3A_168 = arith.constant 4 : i32
      %sub3A_169 = arith.subi %add3A_167, %sub3A_168 : i32
      %add3A_170 = arith.addi %mul3A_4, %sub3A_169 : i32
      %dma_wait3A_171 = arith.constant 0 : i32
      %dma_wait3A_172 = arith.constant 0 : i32
      %dma_wait3A_173 = tpu.memref_slice %arg3[%add3A_170, %dma_wait3A_171, %dma_wait3A_172] : memref<2048x2048x64xf32, #tpu.memory_space<hbm>> -> memref<1x2048x64xf32, #tpu.memory_space<hbm>>
      %dma_wait3A_174 = tpu.memref_squeeze %dma_wait3A_173 : memref<1x2048x64xf32, #tpu.memory_space<hbm>> -> memref<2048x64xf32, #tpu.memory_space<hbm>>
      %dma_wait3A_175 = arith.constant 0 : i32
      %dma_wait3A_176 = arith.constant 0 : i32
      %dma_wait3A_177 = tpu.memref_slice %arg4[%dma_wait3A_175, %dma_wait3A_176] : memref<4096x64xf32, #tpu.memory_space<vmem_shared>> -> memref<2048x64xf32, #tpu.memory_space<vmem_shared>>
      tpu.wait_dma2 semaphore(%arg8 : memref<!tpu.dma_semaphore, #tpu.memory_space<semaphore_mem>>) src(%dma_wait3A_177 : memref<2048x64xf32, #tpu.memory_space<vmem_shared>>) dst(%dma_wait3A_174 : memref<2048x64xf32, #tpu.memory_space<hbm>>)
      %add3A_178 = arith.constant 3 : i32
      %add3A_179 = arith.addi %mul3A_93, %add3A_178 : i32
      %add3A_180 = arith.addi %mul3A_4, %add3A_179 : i32
      %sub3A_181 = arith.constant 2047 : i32
      %sub3A_182 = arith.subi %sub3A_181, %add3A_180 : i32
      %add3A_183 = arith.addi %mul3A_4, %add3A_179 : i32
      %dma_start3A_184 = arith.constant 0 : i32
      %dma_start3A_185 = arith.constant 0 : i32
      %dma_start3A_186 = tpu.memref_slice %arg3[%add3A_183, %dma_start3A_184, %dma_start3A_185] : memref<2048x2048x64xf32, #tpu.memory_space<hbm>> -> memref<1x2048x64xf32, #tpu.memory_space<hbm>>
      %dma_start3A_187 = tpu.memref_squeeze %dma_start3A_186 : memref<1x2048x64xf32, #tpu.memory_space<hbm>> -> memref<2048x64xf32, #tpu.memory_space<hbm>>
      %dma_start3A_188 = arith.constant 0 : i32
      %dma_start3A_189 = tpu.memref_slice %arg4[%sub3A_182, %dma_start3A_188] : memref<4096x64xf32, #tpu.memory_space<vmem_shared>> -> memref<2048x64xf32, #tpu.memory_space<vmem_shared>>
      tpu.enqueue_dma source(%dma_start3A_189 : memref<2048x64xf32, #tpu.memory_space<vmem_shared>>) target(%dma_start3A_187 : memref<2048x64xf32, #tpu.memory_space<hbm>>) target_semaphore(%arg8 : memref<!tpu.dma_semaphore, #tpu.memory_space<semaphore_mem>>)
    }
    %scan3A_55 = arith.constant 15 : i32
    %add3A_56 = arith.constant 60 : i32
    %add3A_57 = arith.addi %mul3A_4, %add3A_56 : i32
    %dma_wait3A = arith.constant 0 : i32
    %dma_wait3A_58 = arith.constant 0 : i32
    %dma_wait3A_59 = tpu.memref_slice %arg3[%add3A_57, %dma_wait3A, %dma_wait3A_58] : memref<2048x2048x64xf32, #tpu.memory_space<hbm>> -> memref<1x2048x64xf32, #tpu.memory_space<hbm>>
    %dma_wait3A_60 = tpu.memref_squeeze %dma_wait3A_59 : memref<1x2048x64xf32, #tpu.memory_space<hbm>> -> memref<2048x64xf32, #tpu.memory_space<hbm>>
    %dma_wait3A_61 = arith.constant 0 : i32
    %dma_wait3A_62 = arith.constant 0 : i32
    %dma_wait3A_63 = tpu.memref_slice %arg4[%dma_wait3A_61, %dma_wait3A_62] : memref<4096x64xf32, #tpu.memory_space<vmem_shared>> -> memref<2048x64xf32, #tpu.memory_space<vmem_shared>>
    tpu.wait_dma2 semaphore(%arg5 : memref<!tpu.dma_semaphore, #tpu.memory_space<semaphore_mem>>) src(%dma_wait3A_63 : memref<2048x64xf32, #tpu.memory_space<vmem_shared>>) dst(%dma_wait3A_60 : memref<2048x64xf32, #tpu.memory_space<hbm>>)
    %add3A_64 = arith.constant 61 : i32
    %add3A_65 = arith.addi %mul3A_4, %add3A_64 : i32
    %dma_wait3A_66 = arith.constant 0 : i32
    %dma_wait3A_67 = arith.constant 0 : i32
    %dma_wait3A_68 = tpu.memref_slice %arg3[%add3A_65, %dma_wait3A_66, %dma_wait3A_67] : memref<2048x2048x64xf32, #tpu.memory_space<hbm>> -> memref<1x2048x64xf32, #tpu.memory_space<hbm>>
    %dma_wait3A_69 = tpu.memref_squeeze %dma_wait3A_68 : memref<1x2048x64xf32, #tpu.memory_space<hbm>> -> memref<2048x64xf32, #tpu.memory_space<hbm>>
    %dma_wait3A_70 = arith.constant 0 : i32
    %dma_wait3A_71 = arith.constant 0 : i32
    %dma_wait3A_72 = tpu.memref_slice %arg4[%dma_wait3A_70, %dma_wait3A_71] : memref<4096x64xf32, #tpu.memory_space<vmem_shared>> -> memref<2048x64xf32, #tpu.memory_space<vmem_shared>>
    tpu.wait_dma2 semaphore(%arg6 : memref<!tpu.dma_semaphore, #tpu.memory_space<semaphore_mem>>) src(%dma_wait3A_72 : memref<2048x64xf32, #tpu.memory_space<vmem_shared>>) dst(%dma_wait3A_69 : memref<2048x64xf32, #tpu.memory_space<hbm>>)
    %add3A_73 = arith.constant 62 : i32
    %add3A_74 = arith.addi %mul3A_4, %add3A_73 : i32
    %dma_wait3A_75 = arith.constant 0 : i32
    %dma_wait3A_76 = arith.constant 0 : i32
    %dma_wait3A_77 = tpu.memref_slice %arg3[%add3A_74, %dma_wait3A_75, %dma_wait3A_76] : memref<2048x2048x64xf32, #tpu.memory_space<hbm>> -> memref<1x2048x64xf32, #tpu.memory_space<hbm>>
    %dma_wait3A_78 = tpu.memref_squeeze %dma_wait3A_77 : memref<1x2048x64xf32, #tpu.memory_space<hbm>> -> memref<2048x64xf32, #tpu.memory_space<hbm>>
    %dma_wait3A_79 = arith.constant 0 : i32
    %dma_wait3A_80 = arith.constant 0 : i32
    %dma_wait3A_81 = tpu.memref_slice %arg4[%dma_wait3A_79, %dma_wait3A_80] : memref<4096x64xf32, #tpu.memory_space<vmem_shared>> -> memref<2048x64xf32, #tpu.memory_space<vmem_shared>>
    tpu.wait_dma2 semaphore(%arg7 : memref<!tpu.dma_semaphore, #tpu.memory_space<semaphore_mem>>) src(%dma_wait3A_81 : memref<2048x64xf32, #tpu.memory_space<vmem_shared>>) dst(%dma_wait3A_78 : memref<2048x64xf32, #tpu.memory_space<hbm>>)
    %add3A_82 = arith.constant 63 : i32
    %add3A_83 = arith.addi %mul3A_4, %add3A_82 : i32
    %dma_wait3A_84 = arith.constant 0 : i32
    %dma_wait3A_85 = arith.constant 0 : i32
    %dma_wait3A_86 = tpu.memref_slice %arg3[%add3A_83, %dma_wait3A_84, %dma_wait3A_85] : memref<2048x2048x64xf32, #tpu.memory_space<hbm>> -> memref<1x2048x64xf32, #tpu.memory_space<hbm>>
    %dma_wait3A_87 = tpu.memref_squeeze %dma_wait3A_86 : memref<1x2048x64xf32, #tpu.memory_space<hbm>> -> memref<2048x64xf32, #tpu.memory_space<hbm>>
    %dma_wait3A_88 = arith.constant 0 : i32
    %dma_wait3A_89 = arith.constant 0 : i32
    %dma_wait3A_90 = tpu.memref_slice %arg4[%dma_wait3A_88, %dma_wait3A_89] : memref<4096x64xf32, #tpu.memory_space<vmem_shared>> -> memref<2048x64xf32, #tpu.memory_space<vmem_shared>>
    tpu.wait_dma2 semaphore(%arg8 : memref<!tpu.dma_semaphore, #tpu.memory_space<semaphore_mem>>) src(%dma_wait3A_90 : memref<2048x64xf32, #tpu.memory_space<vmem_shared>>) dst(%dma_wait3A_87 : memref<2048x64xf32, #tpu.memory_space<hbm>>)
    return
  }
}

module attributes {stable_mosaic.version = 14 : i64} {
  func.func @_build_body(%arg0: memref<1xi32, #tpu.memory_space<smem>>, %arg1: memref<1025x64xf32, #tpu.memory_space<vmem>>, %arg2: memref<4096x64xf32, #tpu.memory_space<vmem>>) attributes {dimension_semantics = [], scalar_prefetch = 0 : i64, scratch_operands = 0 : i64, tpu.core_type = #tpu.core_type<tc>} {
    %get3A = arith.constant 0 : index
    %get3A_0 = memref.load %arg0[%get3A] : memref<1xi32, #tpu.memory_space<smem>>
    %get3A_1 = arith.constant 0 : index
    %get3A_2 = arith.constant 0 : index
    %get3A_3 = vector.load %arg1[%get3A_1, %get3A_2] : memref<1025x64xf32, #tpu.memory_space<vmem>>, vector<1x64xf32>
    %broadcast_in_dim3A = vector.shape_cast %get3A_3 : vector<1x64xf32> to vector<1x64xf32>
    %broadcast_in_dim3A_4 = vector.broadcast %broadcast_in_dim3A : vector<1x64xf32> to vector<4096x64xf32>
    %swap3A = arith.constant 0 : index
    %swap3A_5 = arith.constant 0 : index
    %swap3A_6 = vector.load %arg2[%swap3A, %swap3A_5] : memref<4096x64xf32, #tpu.memory_space<vmem>>, vector<4096x64xf32>
    tpu.vector_store %arg2[%swap3A, %swap3A_5], %broadcast_in_dim3A_4 {strides = array<i32>} : memref<4096x64xf32, #tpu.memory_space<vmem>>, vector<4096x64xf32>,
    %get3A_7 = arith.constant 0 : index
    %get3A_8 = arith.constant 0 : index
    %get3A_9 = vector.load %arg1[%get3A_7, %get3A_8] : memref<1025x64xf32, #tpu.memory_space<vmem>>, vector<1023x64xf32>
    %sub3A = arith.constant 1536 : i32
    %sub3A_10 = arith.subi %sub3A, %get3A_0 : i32
    %swap3A_11 = arith.index_cast %sub3A_10 : i32 to index
    %swap3A_12 = arith.constant 0 : index
    %swap3A_13 = vector.load %arg2[%swap3A_11, %swap3A_12] : memref<4096x64xf32, #tpu.memory_space<vmem>>, vector<1023x64xf32>
    tpu.vector_store %arg2[%swap3A_11, %swap3A_12], %get3A_9 {strides = array<i32>} : memref<4096x64xf32, #tpu.memory_space<vmem>>, vector<1023x64xf32>,
    %get3A_14 = arith.constant 1022 : index
    %get3A_15 = arith.constant 0 : index
    %get3A_16 = vector.load %arg1[%get3A_14, %get3A_15] : memref<1025x64xf32, #tpu.memory_space<vmem>>, vector<1x64xf32>
    %broadcast_in_dim3A_17 = vector.shape_cast %get3A_16 : vector<1x64xf32> to vector<1x64xf32>
    %broadcast_in_dim3A_18 = vector.broadcast %broadcast_in_dim3A_17 : vector<1x64xf32> to vector<1537x64xf32>
    %sub3A_19 = arith.constant 2559 : i32
    %sub3A_20 = arith.subi %sub3A_19, %get3A_0 : i32
    %swap3A_21 = arith.index_cast %sub3A_20 : i32 to index
    %swap3A_22 = arith.constant 0 : index
    %swap3A_23 = vector.load %arg2[%swap3A_21, %swap3A_22] : memref<4096x64xf32, #tpu.memory_space<vmem>>, vector<1537x64xf32>
    tpu.vector_store %arg2[%swap3A_21, %swap3A_22], %broadcast_in_dim3A_18 {strides = array<i32>} : memref<4096x64xf32, #tpu.memory_space<vmem>>, vector<1537x64xf32>,
    return
  }
}

</mosaic_0001>

<sc_bundles>
// kernel: kernel.4.cloned.1.call-start
scs
__scs_entry_jumppad:
0x0: {  	(pc) =	sbr.rel $0x88, $3  }
0x1: {  	(tag) =	ssettag $0x0;
	lr =	simm.s32 $0x1  }
0x2: {  	[smem:$0x3F9E] =	sst lr;
	_ =	strace $0xD0000000  }
0x3: {  	_ = 	snop  }
0x4: {  	_ = 	snop  }
0x5: {  	_ = 	snop  }
0x6: {  	_ = 	snop  }
0x7: {  	_ = 	snop  }
__scs_overlays_trampoline_lowered:
0x8: {  	[smem:$0x3FAD] =	sst s0  }
0x9: {  	[smem:$0x3FAE] =	sst s1  }
0xa: {  	[smem:$0x3FAF] =	sst s2  }
0xb: {  	[smem:$0x3FB0] =	sst s3  }
0xc: {  	[smem:$0x3FB1] =	sst s4  }
0xd: {  	[smem:$0x3FB2] =	sst s5  }
0xe: {  	[smem:$0x3FB3] =	sst s6  }
0xf: {  	[smem:$0x3FB4] =	sst s7  }
0x10: {  	[smem:$0x3FB5] =	sst s8  }
0x11: {  	[smem:$0x3FB6] =	sst s9;
	s0 =	simm.s32 @!p0 $0x0  }
0x12: {  	s1 =	sld [smem:$0x3F9C];
	s0 =	simm.s32 @p0 $0x1  }
0x13: {  	[smem:$0x3FB7] =	sst s0;
	s0 =	simm.s32 @!p1 $0x0  }
0x14: {  	s2 =	sld [smem:$0x3F9B];
	s0 =	simm.s32 @p1 $0x1  }
0x15: {  	[smem:$0x3FB8] =	sst s0;
	s0 =	simm.s32 @!p2 $0x0  }
0x16: {  	s3 =	sld [smem:$0x3FDB];
	s0 =	simm.s32 @p2 $0x1  }
0x17: {  	s4 =	simm.s32 $0x1BF5;
	[smem:$0x3FBA] =	sst s0  }
0x18: {  	s0 =	sld [smem:$0x3F9D];
	_ =	swait.ge [sflag:s4], $0x0  }
0x19: {  	s7 =	sld [smem:$0x3F9E]  }
0x1a: {  	s8 =	sadd.s32 $0xFFFFE003, lr  }
0x1b: {  	s9 =	sadd.s32 $0xFFFFFEF7, lr;
	s5 =	simm.s32 $0xFFFFFFFF;
	p2 =	slt.u32 s8, $0xFFFFF086  }
0x1c: {  	p1 =	slt.u32 s9, $0xF7A;
	s5 =	simm.s32 @!p2 $0x0  }
0x1d: {  	s5 =	simm.s32 @p1 $0x1;
	p0 =	seq.s32 s7, s2  }
0x1e: {  	s7 =	smul.u32 @!p0 $0xF7A, s2;
	p2 =	seq.s32 @!p0 s5, $0x0  }
0x1f: {  	s9 =	smul.u32 $0xF7A, s1;
	s8 =	simm.s32 @!p0 $0x1BF5;
	p2 =	por !p2, p0  }
0x20: {  	[sflag:s8] =	ssyncset.s32 @!p0 $0xFFFFF086;
	s6 =	sadd.s32 @!p0 s3, s7;
	s7 =	simm.s32 @!p0 $0x108  }
0x21: {  	s3 =	sadd.s32 s3, s9;
	s6 =	sadd.s32 @!p0 $0x88, s6;
	s7 =	simm.s32 @p2 $0x1082  }
0x22: {  	[simem:s7], [sflag:s8] =	dma.local @!p0 [hbm:s6], $0xF7A  }
0x23: {  	s9 =	sor.u32 $0xD0000000, s2;
	s6 =	simm.s32 $0x108;
	_ =	swait.ge @!p0 [sflag:s8], $0x0  }
0x24: {  	s3 =	sadd.s32 $0x88, s3;
	s6 =	simm.s32 @!p1 $0x1082;
	[sflag:s4] =	ssyncset.s32 $0xFFFFF086  }
0x25: {  	[simem:s6], [sflag:s4] =	dma.local [hbm:s3], $0xF7A  }
0x26: {  	[smem:$0x3F9E] =	sst s1;
	(tag) =	ssettag s2;
	_ =	strace s9  }
0x27: {  	s1 =	sld [smem:$0x3FAE]  }
0x28: {  	s2 =	sld [smem:$0x3FAF]  }
0x29: {  	s4 =	sld [smem:$0x3FB1]  }
0x2a: {  	p0 =	seq.s32 s5, $0x0;
	s5 =	sld [smem:$0x3FB2]  }
0x2b: {  	s6 =	sld [smem:$0x3FB3]  }
0x2c: {  	s7 =	sld [smem:$0x3FB4]  }
0x2d: {  	s3 =	simm.s32 $0x108;
	s8 =	sld [smem:$0x3FB5]  }
0x2e: {  	s3 =	simm.s32 @!p0 $0x1082;
	s9 =	sld [smem:$0x3FB6]  }
0x2f: {  	lr =	sadd.s32 s0, s3;
	s0 =	sld [smem:$0x3FAD]  }
0x30: {  	s3 =	sld [smem:$0x3FB0]  }
0x31: {  	[smem:$0x3FB9] =	sst s10  }
0x32: {  	s10 =	sld [smem:$0x3FB7];
	_ =	sdelay $0x3  }
0x33: {  	p0 =	seq.s32 s10, $0x1;
	s10 =	sld [smem:$0x3FB9];
	_ =	sdelay $0x3  }
0x34: {  	[smem:$0x3FB9] =	sst s10  }
0x35: {  	s10 =	sld [smem:$0x3FB8];
	_ =	sdelay $0x3  }
0x36: {  	p1 =	seq.s32 s10, $0x1;
	s10 =	sld [smem:$0x3FB9];
	_ =	sdelay $0x3  }
0x37: {  	[smem:$0x3FB9] =	sst s10  }
0x38: {  	s10 =	sld [smem:$0x3FBA]  }
0x39: {  	_ = 	snop;
	(pc) =	sbr.ind lr, $3  }
0x3a: {  	_ = 	snop  }
0x3b: {  	_ = 	snop  }
0x3c: {  	p2 =	seq.s32 s10, $0x1;
	s10 =	sld [smem:$0x3FB9]  }
0x3d: {  	_ =	shalt  }
0x3e: {  	_ =	shalt  }
0x3f: {  	_ =	shalt  }
0x40: {  	_ =	shalt  }
0x41: {  	_ =	shalt  }
0x42: {  	_ =	shalt  }
0x43: {  	_ =	shalt  }
0x44: {  	_ =	shalt  }
0x45: {  	_ =	shalt  }
0x46: {  	_ =	shalt  }
0x47: {  	_ =	shalt  }
0x48: {  	_ =	shalt  }
0x49: {  	_ =	shalt  }
0x4a: {  	_ =	shalt  }
0x4b: {  	_ =	shalt  }
0x4c: {  	_ =	shalt  }
0x4d: {  	_ =	shalt  }
0x4e: {  	_ =	shalt  }
0x4f: {  	_ =	shalt  }
0x50: {  	_ =	shalt  }
0x51: {  	_ =	shalt  }
0x52: {  	_ =	shalt  }
0x53: {  	_ =	shalt  }
0x54: {  	_ =	shalt  }
0x55: {  	_ =	shalt  }
0x56: {  	_ =	shalt  }
0x57: {  	_ =	shalt  }
0x58: {  	_ =	shalt  }
0x59: {  	_ =	shalt  }
0x5a: {  	_ =	shalt  }
0x5b: {  	_ =	shalt  }
0x5c: {  	_ =	shalt  }
0x5d: {  	_ =	shalt  }
0x5e: {  	_ =	shalt  }
0x5f: {  	_ =	shalt  }
0x60: {  	_ =	shalt  }
0x61: {  	_ =	shalt  }
0x62: {  	_ =	shalt  }
0x63: {  	_ =	shalt  }
0x64: {  	_ =	shalt  }
0x65: {  	_ =	shalt  }
0x66: {  	_ =	shalt  }
0x67: {  	_ =	shalt  }
0x68: {  	_ =	shalt  }
0x69: {  	_ =	shalt  }
0x6a: {  	_ =	shalt  }
0x6b: {  	_ =	shalt  }
0x6c: {  	_ =	shalt  }
0x6d: {  	_ =	shalt  }
0x6e: {  	_ =	shalt  }
0x6f: {  	_ =	shalt  }
0x70: {  	_ =	shalt  }
0x71: {  	_ =	shalt  }
0x72: {  	_ =	shalt  }
0x73: {  	_ =	shalt  }
0x74: {  	_ =	shalt  }
0x75: {  	_ =	shalt  }
0x76: {  	_ =	shalt  }
0x77: {  	_ =	shalt  }
0x78: {  	_ =	shalt  }
0x79: {  	_ =	shalt  }
0x7a: {  	_ =	shalt  }
0x7b: {  	_ =	shalt  }
0x7c: {  	_ =	shalt  }
0x7d: {  	_ =	shalt  }
0x7e: {  	_ =	shalt  }
0x7f: {  	_ =	shalt  }
0x80: {  	_ =	shalt  }
0x81: {  	_ =	shalt  }
0x82: {  	_ =	shalt  }
0x83: {  	_ =	shalt  }
0x84: {  	_ =	shalt  }
0x85: {  	_ =	shalt  }
0x86: {  	_ =	shalt  }
0x87: {  	_ =	shalt  }
.Lfunc_end0:
.L_simem_size_0:
called_computation_lowered:
.L_overlay_start_0:
0x88: {  	s2 =	sld [smem:$0x3FD9]  }
0x89: {  	s3 =	sld [smem:$0x3FFE];
	_ =	sdelay $0x1  }
0x8a: {  	s1 =	srdreg.scid  }
0x8b: {  	s0 =	sand.u32 $0x1, s1  }
0x8c: {  	s17 =	sshll.u32 s0, $0xA;
	s2 =	sadd.s32 s3, s2  }
0x8d: {  	s2 =	sadd.s32 s2, s17  }
0x8e: {  	[smem:$0x3FC5] =	sst s2  }
0x8f: {  	_ = 	snop  }
0x90: {  	s2 =	sld [smem:$0x3FD0];
	(tm) =	ssettm $0x1  }
0x91: {  	s18 =	sld [smem:$0x3FFB];
	_ =	sdelay $0x3  }
0x92: {  	_ =	strace s18  }
0x93: {  	s3 =	sld [smem:$0x3FFC];
	_ =	sdelay $0x3  }
0x94: {  	_ =	strace s3  }
0x95: {  	s3 =	sld [smem:$0x3FFD];
	_ =	sdelay $0x3  }
0x96: {  	_ =	strace s3  }
0x97: {  	_ =	strace $0x8FFFFFFF  }
0x98: {  	s19 =	sld [smem:$0x3FDB];
	_ =	sdelay $0x1  }
0x99: {  	s4 =	simm.s32 $_scs_section_size  }
0x9a: {  	s5 =	simm.s32 $_size__tile_overlayer_lowered;
	s6 =	simm.s32 $_tile_overlayer_lowered  }
0x9b: {  	s22 =	simm.s32 $0x1BFF;
	s21 =	sshll.u32 s6, $0x1;
	s3 =	sadd.s32 s4, s19  }
0x9c: {  	s7 =	simm.s32 $0x0;
	s20 =	sshll.u32 s5, $0x1;
	s5 =	sadd.s32 s21, s3  }
0x9d: {  	[timem:s7], [sflag:s22] =	dma.local [hbm:s5], s20  }
0x9e: {  	_ =	swait.ge [sflag:s22], s20  }
0x9f: {  	s4 =	ssub.s32 $0x0, s20;
	[sflag:s22] =	ssyncset.done $0x0  }
0xa0: {  	[sflag:s22] =	ssyncadd.s32 s4;
	_ =	sdelay $0x1  }
0xa1: {  	s23 =	simm.s32 $0x1B8B  }
0xa2: {  	_ =	swait.ge [sflag:s23], $0x1  }
0xa3: {  	[sflag:s23] =	ssyncset.done $0x0  }
0xa4: {  	s25 =	simm.s32 $0x1B8E;
	s24 =	sld [smem:$0x3FFE];
	[sflag:s23] =	ssyncadd.s32 $0xFFFFFFFF  }
0xa5: {  	s26 =	simm.s32 $execute0_lowered;
	[smem:$0x3FD2] =	sst s25  }
0xa6: {  	s5 =	sshll.u32 s26, $0x1;
	_ =	strace $0x80000046;
	[dreg:$0x1] =	wrdreg $0xFFFFFFFF  }
0xa7: {  	s28 =	simm.s32 $_size_execute0_lowered;
	s3 =	sadd.s32 s3, s5;
	[dreg:$0x0] =	wrdreg $0x0  }
0xa8: {  	s5 =	sshll.u32 s28, $0x1;
	[dreg:$0x2] =	wrdreg s3  }
0xa9: {  	[dreg:$0x3] =	wrdreg s5  }
0xaa: {  	[dreg:$0x4] =	wrdreg $0xC0  }
0xab: {  	_ =	task [dreg:s7], $0x5FFFF  }
0xac: {  	[dreg:$0x1] =	wrdreg $0xFFFFFFFF  }
0xad: {  	[dreg:$0x0] =	wrdreg $0x60  }
0xae: {  	[dreg:$0x2] =	wrdreg s2  }
0xaf: {  	[dreg:$0x3] =	wrdreg s24  }
0xb0: {  	[dreg:$0x4] =	wrdreg $0x0  }
0xb1: {  	[dreg:$0x5] =	wrdreg $0x9  }
0xb2: {  	_ =	task.clear_ibuf [dreg:s7], $0x6FFFF;
	_ =	strace $0x90000046  }
0xb3: {  	s29 =	simm.s32 $0x9;
	_ =	strace $0x80000048  }
0xb4: {  	_ =	swait.ge [sflag:s29], $0x1  }
0xb5: {  	[sflag:s29] =	ssyncadd.s32 $0xFFFFFFFF  }
0xb6: {  	_ =	strace $0x90000048  }
0xb7: {  	_ =	sfence  }
0xb8: {  	s30 =	sld [smem:$0x0];
	_ =	sdelay $0x2  }
0xb9: {  	s31 =	sshll.u32 s1, $0xD;
	s1 =	sshrl.u32 s1, $0x2  }
0xba: {  	s3 =	sand.u32 $0x4000, s31;
	s1 =	sadd.s32 s1, s30  }
0xbb: {  	s0 =	sor.u32 s3, s0;
	s1 =	sshll.u32 s1, $0x11  }
0xbc: {  	s0 =	sor.u32 s1, s0  }
0xbd: {  	s0 =	sadd.s32 $0x8F2B, s0  }
0xbe: {  	[sflag:s0] =	ssyncadd.remote.s32 $0x1  }
0xbf: {  	_ =	sfence.sel $0xFFFF  }
0xc0: {  	[dreg:$0x0] =	wrdreg $0xFFFFFFFF;
	(pc) =	sbr.abs _section_cstart, $3  }
0xc1: {  	[dreg:$0x1] =	wrdreg $0xFFFFFFFF  }
0xc2: {  	_ =	task.clear_ibuf [dreg:s7], $0x2FFFF;
	_ =	strace $0x9FFFFFFF  }
0xc3: {  	(tm) =	ssettm $0x7FFFFFFF  }
tec
execute0_lowered:
.L_overlay_start_1:
0x0: {  	(tag) =	ssettag $0x1  }
0x1: {  	s1 =	rddreg [dreg:$0x0]  }
0x2: {  	s3 =	rddreg [dreg:$0x1]  }
0x3: {  	s10 =	rddreg [dreg:$0x2]  }
0x4: {  	s0 =	rddreg [dreg:$0x3];
	s2 =	simm.s32 $0x0;
	s4 =	srdreg.scid  }
0x5: {  	s11 =	stileid.u32;
	s19 =	simm.s32 $0x1;
	s20 =	simm.s32 $0x2  }
0x6: {  	s21 =	simm.s32 $0x3;
	s22 =	simm.s32 $0x4;
	[smem:$0x7FF] =	sst s2  }
0x7: {  	s8 =	sand.u32 $0x1, s4;
	s25 =	sshll.u32 s11, $0x7;
	s9 =	sadd.s32 $0x600, s3  }
0x8: {  	s15 =	sshll.u32 s11, $0x10;
	s17 =	sshll.u32 s11, $0x16;
	p0 =	sne.s32 s11, $0x0  }
0x9: {  	s31 =	sshll.u32 s11, $0x6;
	_ =	strace $0x80000047;
	s5 =	sshll.u32 s8, $0x6  }
0xa: {  	s26 =	ssub.s32 $0x2, s8;
	s29 =	sshll.u32 s8, $0xF;
	s8 =	sshll.u32 s8, $0x15  }
0xb: {  	s11 =	sor.u32 $0x1C01, s31;
	s4 =	sor.u32 s5, s25;
	s28 =	sshrl.u32 s26, $0x1  }
0xc: {  	s6 =	sshll.u32 s4, $0xF;
	s4 =	sshll.u32 s4, $0x7;
	s7 =	ssub.s32 s26, s28  }
0xd: {  	s3 =	sadd.s32 s9, s6;
	s12 =	ssub.s32 s10, s4;
	s7 =	smax.u32 s7, $0x1  }
0xe: {  	s9 =	sadd.s32 s17, s9;
	s17 =	sor.u32 $0x1C04, s31;
	s13 =	sadd.s32 $0x3FF80, s12  }
0xf: {  	s4 =	sadd.s32 $0x8000, s3;
	s14 =	sadd.s32 $0x3FF00, s12;
	s5 =	sadd.s32 $0x10000, s3  }
0x10: {  	s16 =	sadd.s32 $0x3FE80, s12;
	s6 =	sadd.s32 $0x18000, s3;
	s18 =	sadd.s32 $0x3FE00, s12  }
0x11: {  	s12 =	sor.u32 s15, s29;
	s8 =	sadd.s32 s8, s9;
	s15 =	sor.u32 $0x1C03, s31  }
0x12: {  	s12 =	sxor.u32 $0xFF000, s12;
	s14 =	sshrl.u32 s14, $0x3;
	s16 =	sshrl.u32 s16, $0x3  }
0x13: {  	s18 =	sshrl.u32 s18, $0x3;
	s30 =	sshrl.u32 s12, $0x2;
	s12 =	sshrl.u32 s13, $0x3  }
0x14: {  	s13 =	sor.u32 $0x1C02, s31;
	s9 =	sadd.s32 s30, s10;
	s10 =	sshrl.u32 @!p0 s10, $0x3  }
.LBB2_1:
0x15: {  	s23 =	simm.s32 @!p0 $0x1C05  }
0x16: {  	[spmem:s10], [sflag:s23] =	dma.local @!p0 [hbm:s1], $0x10000  }
0x17: {  	s23 =	simm.s32 @!p0 $0x5  }
0x18: {  	_ =	swait.ge @!p0 [sflag:s23], $0x10000  }
0x19: {  	[sflag:s23] =	ssyncset.done @!p0 $0x0  }
0x1a: {  	[sflag:s23] =	ssyncadd.s32 @!p0 $0xFFFF0000  }
0x1b: {  	[bflag:$0x0] =	sbarrier.arrive $0xFFFF  }
0x1c: {  	[hbm:s3], [sflag:s11] =	dma.local [spmem:s12], $0x8000  }
0x1d: {  	[hbm:s4], [sflag:s13] =	dma.local [spmem:s14], $0x8000  }
0x1e: {  	[hbm:s5], [sflag:s15] =	dma.local [spmem:s16], $0x8000  }
0x1f: {  	[hbm:s6], [sflag:s17] =	dma.local [spmem:s18], $0x8000  }
0x20: {  	_ =	swait.ge [sflag:s19], $0x8000  }
0x21: {  	s25 =	sadd.s32 $0x0, s8;
	s26 =	sadd.s32 $0x180, s9;
	[sflag:s19] =	ssyncset.done $0x0  }
0x22: {  	s24 =	sadd.s32 $0x20000, s25;
	s23 =	sshrl.u32 s26, $0x3;
	[sflag:s19] =	ssyncadd.s32 $0xFFFF8000  }
0x23: {  	[hbm:s24], [sflag:s11] =	dma.local [spmem:s23], $0x8000  }
0x24: {  	_ =	swait.ge [sflag:s20], $0x8000  }
0x25: {  	s28 =	sadd.s32 $0x100, s9;
	[sflag:s20] =	ssyncset.done $0x0  }
0x26: {  	s29 =	sadd.s32 $0x28000, s25;
	s23 =	sshrl.u32 s28, $0x3;
	[sflag:s20] =	ssyncadd.s32 $0xFFFF8000  }
0x27: {  	[hbm:s29], [sflag:s13] =	dma.local [spmem:s23], $0x8000  }
0x28: {  	_ =	swait.ge [sflag:s21], $0x8000  }
0x29: {  	s30 =	sadd.s32 $0x80, s9;
	[sflag:s21] =	ssyncset.done $0x0  }
0x2a: {  	s31 =	sadd.s32 $0x30000, s25;
	s23 =	sshrl.u32 s30, $0x3;
	[sflag:s21] =	ssyncadd.s32 $0xFFFF8000  }
0x2b: {  	[hbm:s31], [sflag:s15] =	dma.local [spmem:s23], $0x8000  }
0x2c: {  	_ =	swait.ge [sflag:s22], $0x8000  }
0x2d: {  	s25 =	sadd.s32 $0x38000, s25;
	s26 =	sshrl.u32 s9, $0x3;
	[sflag:s22] =	ssyncset.done $0x0  }
0x2e: {  	s24 =	sadd.s32 $0xFFFFFE00, s9;
	s23 =	simm.s32 $0x20000;
	[sflag:s22] =	ssyncadd.s32 $0xFFFF8000  }
.LBB2_2:
0x2f: {  	[hbm:s25], [sflag:s17] =	dma.local [spmem:s26], $0x8000  }
0x30: {  	p1 =	sne.s32 s23, $0x1C0000;
	s25 =	smov.u32 s23;
	s23 =	sadd.s32 $0x20000, s23  }
0x31: {  	s26 =	smov.u32 s24;
	_ =	swait.ge [sflag:s19], $0x8000  }
0x32: {  	s28 =	sadd.s32 $0x180, s24;
	s25 =	sadd.s32 s25, s8;
	[sflag:s19] =	ssyncset.done $0x0  }
0x33: {  	s28 =	sshrl.u32 s28, $0x3;
	s29 =	sadd.s32 $0x20000, s25;
	[sflag:s19] =	ssyncadd.s32 $0xFFFF8000  }
0x34: {  	[hbm:s29], [sflag:s11] =	dma.local [spmem:s28], $0x8000  }
0x35: {  	_ =	swait.ge [sflag:s20], $0x8000  }
0x36: {  	s28 =	sadd.s32 $0x100, s24;
	[sflag:s20] =	ssyncset.done $0x0  }
0x37: {  	s29 =	sadd.s32 $0x28000, s25;
	s28 =	sshrl.u32 s28, $0x3;
	[sflag:s20] =	ssyncadd.s32 $0xFFFF8000  }
0x38: {  	[hbm:s29], [sflag:s13] =	dma.local [spmem:s28], $0x8000  }
0x39: {  	_ =	swait.ge [sflag:s21], $0x8000  }
0x3a: {  	s28 =	sadd.s32 $0x80, s24;
	s29 =	sadd.s32 $0x30000, s25;
	[sflag:s21] =	ssyncset.done $0x0  }
.Ltmp0:
0x3b: {  	s28 =	sshrl.u32 s28, $0x3;
	[sflag:s21] =	ssyncadd.s32 $0xFFFF8000;
	(pc) =	sbr.rel @p1 .LBB2_2-.Ltmp0, $4  }
0x3c: {  	[hbm:s29], [sflag:s15] =	dma.local [spmem:s28], $0x8000  }
0x3d: {  	_ =	swait.ge [sflag:s22], $0x8000  }
0x3e: {  	s24 =	sadd.s32 $0xFFFFFE00, s24;
	[sflag:s22] =	ssyncset.done $0x0  }
0x3f: {  	s26 =	sshrl.u32 s26, $0x3;
	s25 =	sadd.s32 $0x38000, s25;
	[sflag:s22] =	ssyncadd.s32 $0xFFFF8000  }
0x40: {  	[hbm:s25], [sflag:s17] =	dma.local [spmem:s26], $0x8000  }
0x41: {  	_ =	swait.ge [sflag:s19], $0x8000  }
0x42: {  	[sflag:s19] =	ssyncset.done $0x0  }
0x43: {  	[sflag:s19] =	ssyncadd.s32 $0xFFFF8000  }
0x44: {  	_ =	swait.ge [sflag:s20], $0x8000  }
0x45: {  	[sflag:s20] =	ssyncset.done $0x0  }
0x46: {  	s2 =	sadd.s32 $0x1, s2;
	[sflag:s20] =	ssyncadd.s32 $0xFFFF8000  }
0x47: {  	p1 =	sne.s32 s2, s7;
	_ =	swait.ge [sflag:s21], $0x8000  }
.Ltmp1:
0x48: {  	[sflag:s21] =	ssyncset.done $0x0;
	(pc) =	sbr.rel @p1 .LBB2_1-.Ltmp1, $4  }
0x49: {  	[sflag:s21] =	ssyncadd.s32 $0xFFFF8000  }
0x4a: {  	_ =	swait.ge [sflag:s22], $0x8000  }
0x4b: {  	[sflag:s22] =	ssyncset.done $0x0  }
0x4c: {  	[sflag:s22] =	ssyncadd.s32 $0xFFFF8000  }
0x4d: {  	_ =	sfence.sel $0x180000  }
0x4e: {  	[bflag:$0x0] =	sbarrier.arrive $0xFFFF  }
0x4f: {  	_ =	strace $0x90000047  }
0x50: {  	s0 =	sadd.s32 @!p0 $0x100000, s0;
	[bflag:$0x2] =	sbarrier.arrive $0xFFFF  }
0x51: {  	[sflag:s0] =	ssyncadd.tile.s32 @!p0 $0x1;
	_ =	shalt  }
.Lfunc_end2:
_tile_overlayer_lowered:
.L_overlay_start_2:
0x52: {  	(tag) =	ssettag $0x2  }
0x53: {  	s0 =	rddreg [dreg:$0x0];
	s2 =	stileid.u32  }
0x54: {  	s1 =	rddreg [dreg:$0x1];
	p0 =	sne.s32 s2, $0x0  }
0x55: {  	s3 =	rddreg [dreg:$0x2];
	[bflag:$0x3] =	sbarrier.arrive $0xFFFF;
	s2 =	simm.s32 @!p0 $0x1C05  }
0x56: {  	[timem:s3], [sflag:s2] =	dma.local @!p0 [hbm:s0], s1  }
0x57: {  	s0 =	simm.s32 @!p0 $0x5  }
0x58: {  	_ =	swait.ge @!p0 [sflag:s0], s1  }
0x59: {  	s1 =	ssub.s32 @!p0 $0x0, s1;
	[sflag:s0] =	ssyncset.done @!p0 $0x0  }
0x5a: {  	[sflag:s0] =	ssyncadd.s32 @!p0 s1  }
0x5b: {  	[bflag:$0x3] =	sbarrier.arrive $0xFFFF  }
0x5c: {  	_ =	shalt  }

</sc_bundles>
